<compile_context>
chip_gen: v7x
topology: tpu7x:2x2x1
jax: 0.10.2.dev20260603
libtpu: 0.0.44.dev20260713+nightly
codegen_flags: <defaults>
</compile_context>

<pallas_src>
import functools

import jax
import jax.numpy as jnp
from jax import lax
from jax.experimental import pallas as pl
from jax.experimental.pallas import tpu as pltpu
from jax.experimental.pallas import tpu_sc as plsc

_K = 64
_GAMMA = 1.0
_N_NODES = 10000
_D_FEAT = 256
_N_ANCHORS = 1024

_BA = 256
_N_PAD = 10240
_NB = 2048
_NI = (2 * _N_ANCHORS) // _BA
_NJ = _N_PAD // _NB


_SC_NC = 2
_SC_NS = 16


def _sc_gather(out1, out2, anchor1, anchor2):
    nw = _SC_NC * _SC_NS
    bpw = _N_ANCHORS // nw

    @functools.partial(
        pl.kernel,
        mesh=plsc.VectorSubcoreMesh(core_axis_name="c", subcore_axis_name="s"),
        out_type=[
            jax.ShapeDtypeStruct((_N_ANCHORS, _D_FEAT), jnp.float32),
            jax.ShapeDtypeStruct((_N_ANCHORS, _D_FEAT), jnp.float32),
        ],
        scratch_types=[
            pltpu.VMEM((bpw,), jnp.int32),
            pltpu.VMEM((bpw, _D_FEAT), jnp.float32),
            pltpu.VMEM((bpw,), jnp.int32),
            pltpu.VMEM((bpw, _D_FEAT), jnp.float32),
            pltpu.SemaphoreType.DMA,
        ],
    )
    def k(t1_hbm, t2_hbm, i1_hbm, i2_hbm, o1_hbm, o2_hbm,
          i1_v, r1_v, i2_v, r2_v, sem):
        wid = lax.axis_index("s") * _SC_NC + lax.axis_index("c")
        base = wid * bpw
        pltpu.sync_copy(i1_hbm.at[pl.ds(base, bpw)], i1_v)
        pltpu.async_copy(t1_hbm.at[i1_v], r1_v, sem).wait()
        pltpu.sync_copy(r1_v, o1_hbm.at[pl.ds(base, bpw)])
        pltpu.sync_copy(i2_hbm.at[pl.ds(base, bpw)], i2_v)
        pltpu.async_copy(t2_hbm.at[i2_v], r2_v, sem).wait()
        pltpu.sync_copy(r2_v, o2_hbm.at[pl.ds(base, bpw)])

    return k(out1, out2, anchor1, anchor2)


def _main_body(ae_ref, aep_ref, cand_ref, out_ref, dist_ref):
    i = pl.program_id(0)
    j = pl.program_id(1)

    cand = cand_ref[...]

    def dist_group(g, carry):
        ae8 = ae_ref[pl.ds(g * 8, 8), :]
        rows = []
        for a in range(8):
            av = ae8[a, :]
            rows.append(jnp.sum(jnp.abs(cand - av), axis=1))
        blk = jnp.stack(rows, axis=0)
        dist_ref[pl.ds(g * 8, 8), pl.ds(j * _NB, _NB)] = blk
        return carry

    jax.lax.fori_loop(0, _BA // 8, dist_group, 0)

    @pl.when(jnp.logical_and(i == 0, j == 0))
    def _():
        out_ref[...] = jnp.zeros((1, 1), jnp.float32)

    @pl.when(j == _NJ - 1)
    def _():
        d = dist_ref[...]
        bits = jax.lax.bitcast_convert_type(d, jnp.int32)
        drow = jnp.sum(jnp.abs(ae_ref[...] - aep_ref[...]), axis=1,
                       keepdims=True) + _GAMMA

        def step(it, prefix):
            T = prefix + jnp.left_shift(1, 30 - it)
            c = jnp.sum((bits < T).astype(jnp.int32), axis=1, keepdims=True)
            return jnp.where(c >= _K, prefix, T)

        prefix0 = jnp.zeros((_BA, 1), jnp.int32)
        tbits = jax.lax.fori_loop(0, 31, step, prefix0)
        t = jax.lax.bitcast_convert_type(tbits, jnp.float32)
        less = d < t
        c = jnp.sum(less.astype(jnp.int32), axis=1, keepdims=True)
        contrib = jnp.where(less, jnp.maximum(drow - d, 0.0), 0.0)
        row_loss = (jnp.sum(contrib, axis=1, keepdims=True)
                    + (_K - c).astype(jnp.float32)
                    * jnp.maximum(drow - t, 0.0))
        out_ref[...] += jnp.sum(row_loss, keepdims=True).reshape(1, 1)


def _main(ae, cand_cat):
    half_i = _N_ANCHORS // _BA
    return pl.pallas_call(
        _main_body,
        grid=(_NI, _NJ),
        in_specs=[
            pl.BlockSpec((_BA, _D_FEAT), lambda i, j: (i, 0)),
            pl.BlockSpec((_BA, _D_FEAT), lambda i, j: ((i + half_i) % _NI, 0)),
            pl.BlockSpec((_NB, _D_FEAT),
                         lambda i, j: ((i // half_i) * _NJ + j, 0)),
        ],
        out_specs=pl.BlockSpec((1, 1), lambda i, j: (0, 0)),
        out_shape=jax.ShapeDtypeStruct((1, 1), jnp.float32),
        scratch_shapes=[pltpu.VMEM((_BA, _N_PAD), jnp.float32)],
        compiler_params=pltpu.CompilerParams(
            dimension_semantics=("arbitrary", "arbitrary")),
    )(ae, ae, cand_cat)


def kernel(out1, out2, anchor1, anchor2):
    ae1, ae2 = _sc_gather(out1, out2, anchor1.astype(jnp.int32),
                          anchor2.astype(jnp.int32))
    ae = jnp.concatenate([ae1, ae2], axis=0)
    npad = _N_PAD - _N_NODES
    pad = jnp.full((npad, _D_FEAT), 1e9, jnp.float32)
    cand_cat = jnp.concatenate([out2, pad, out1, pad], axis=0)
    loss = _main(ae, cand_cat)
    return loss[0, 0] / (_N_ANCHORS * _K)

# --- scband reference (transcript-rebuilt; emitter-appended) ---
"""Pipeline reference for scband-ranking-loss-l1-17746804867499 (READ-ONLY COPY).

The authoritative reference and input builder live on the scoring server;
editing this copy changes nothing except your own understanding.
"""

import jax, jax.numpy as jnp
import numpy as np

K = 64
GAMMA = 1.0
N_NODES = 10000
D_FEAT = 256
N_ANCHORS = 1024


def setup_inputs(seed: int = 0) -> dict:
    key = jax.random.key(seed)
    k1, k2, k3, k4 = jax.random.split(key, 4)
    out1 = jax.random.normal(k1, (N_NODES, D_FEAT), dtype=jnp.float32)
    out2 = jax.random.normal(k2, (N_NODES, D_FEAT), dtype=jnp.float32)
    anchor1 = jax.random.randint(k3, (N_ANCHORS,), 0, N_NODES, dtype=jnp.int64 if jax.config.read('jax_enable_x64') else jnp.int32)
    anchor2 = jax.random.randint(k4, (N_ANCHORS,), 0, N_NODES, dtype=jnp.int64 if jax.config.read('jax_enable_x64') else jnp.int32)
    return {"out1": out1, "out2": out2, "anchor1": anchor1, "anchor2": anchor2}


def _cdist_l1(a, b):
    # a: [A, d], b: [N, d] -> [A, N] cityblock distances, row-chunked to bound memory
    def row(av):
        return jnp.sum(jnp.abs(b - av[None, :]), axis=1)
    return jax.lax.map(row, a)


def reference(out1, out2, anchor1, anchor2):
    anchor_embeddings_1 = out1[anchor1]
    anchor_embeddings_2 = out2[anchor2]

    # negative sampling: k nearest (smallest L1 distance) candidates
    distances_1 = _cdist_l1(anchor_embeddings_1, out2)
    neg_samples_1 = jax.lax.top_k(-distances_1, K)[1]
    distances_2 = _cdist_l1(anchor_embeddings_2, out1)
    neg_samples_2 = jax.lax.top_k(-distances_2, K)[1]

    neg_embeddings_1 = out2[neg_samples_1]  # [A, K, d]
    neg_embeddings_2 = out1[neg_samples_2]  # [A, K, d]

    A = jnp.sum(jnp.abs(anchor_embeddings_1 - anchor_embeddings_2), axis=1)
    D = A + GAMMA
    B1 = -jnp.sum(jnp.abs(anchor_embeddings_1[:, None, :] - neg_embeddings_1), axis=2)
    L1 = jnp.sum(jax.nn.relu(D[:, None] + B1))
    B2 = -jnp.sum(jnp.abs(anchor_embeddings_2[:, None, :] - neg_embeddings_2), axis=2)
    L2 = jnp.sum(jax.nn.relu(D[:, None] + B2))
    return (L1 + L2) / (anchor1.shape[0] * K)

if __name__ == "__main__":
    import jax
    _d = setup_inputs()
    print(jax.jit(kernel)(*tuple(_d.values())))

</pallas_src>

<mosaic_0001>
#map = affine_map<(d0, d1) -> (0, 0)>
#map1 = affine_map<(d0, d1) -> (0)>
module attributes {stable_mosaic.version = 14 : i64} {
  func.func @k(%arg0: i32, %arg1: i32, %arg2: memref<10000x256xf32, #tpu.memory_space<hbm>>, %arg3: memref<10000x256xf32, #tpu.memory_space<hbm>>, %arg4: memref<1024xi32, #tpu.memory_space<hbm>>, %arg5: memref<1024xi32, #tpu.memory_space<hbm>>, %arg6: memref<1024x256xf32, #tpu.memory_space<hbm>>, %arg7: memref<1024x256xf32, #tpu.memory_space<hbm>>, %arg8: memref<32xi32, #tpu.memory_space<vmem>>, %arg9: memref<32x256xf32, #tpu.memory_space<vmem>>, %arg10: memref<32xi32, #tpu.memory_space<vmem>>, %arg11: memref<32x256xf32, #tpu.memory_space<vmem>>, %arg12: memref<!tpu.dma_semaphore, #tpu.memory_space<semaphore_mem>>) attributes {dimension_semantics = [#tpu.dimension_semantics<core_parallel>, #tpu.dimension_semantics<subcore_parallel>], iteration_bounds = array<i64: 2, 16>, scalar_prefetch = 0 : i64, scratch_operands = 5 : i64, tpu.core_type = #tpu.core_type<sc_vector_subcore>, window_params = [{transform_indices = #map}, {transform_indices = #map}, {transform_indices = #map1}, {transform_indices = #map1}, {transform_indices = #map}, {transform_indices = #map}]} {
    %mul3A = arith.constant 2 : i32
    %mul3A_0 = arith.muli %arg1, %mul3A : i32
    %add3A = arith.addi %mul3A_0, %arg0 : i32
    %mul3A_1 = arith.constant 32 : i32
    %mul3A_2 = arith.muli %add3A, %mul3A_1 : i32
    "tpu.region"() ({
      %run_scoped3A = tpu.sem_alloc : memref<!tpu.dma_semaphore, #tpu.memory_space<semaphore_mem>>
      %dma_start3A_13 = tpu.memref_slice %arg4[%mul3A_2] : memref<1024xi32, #tpu.memory_space<hbm>> -> memref<32xi32, #tpu.memory_space<hbm>>
      %dma_start3A_14 = tpu.memref_slice %arg4[%mul3A_2] : memref<1024xi32, #tpu.memory_space<hbm>> -> memref<32xi32, #tpu.memory_space<hbm>>
      tpu.enqueue_dma source(%dma_start3A_14 : memref<32xi32, #tpu.memory_space<hbm>>) target(%arg8 : memref<32xi32, #tpu.memory_space<vmem>>) target_semaphore(%run_scoped3A : memref<!tpu.dma_semaphore, #tpu.memory_space<semaphore_mem>>)
      %dma_wait3A_15 = tpu.memref_slice %arg4[%mul3A_2] : memref<1024xi32, #tpu.memory_space<hbm>> -> memref<32xi32, #tpu.memory_space<hbm>>
      %dma_wait3A_16 = tpu.memref_slice %arg4[%mul3A_2] : memref<1024xi32, #tpu.memory_space<hbm>> -> memref<32xi32, #tpu.memory_space<hbm>>
      tpu.wait_dma2 semaphore(%run_scoped3A : memref<!tpu.dma_semaphore, #tpu.memory_space<semaphore_mem>>) src(%dma_wait3A_16 : memref<32xi32, #tpu.memory_space<hbm>>) dst(%arg8 : memref<32xi32, #tpu.memory_space<vmem>>)
      tpu.yield
    }) : () -> ()
    %dma_start3A = arith.constant 0 : i32
    %dma_start3A_3 = arith.constant 0 : i32
    %dma_start3A_4 = tpu.memref_slice %arg2[%dma_start3A, %dma_start3A_3] : memref<10000x256xf32, #tpu.memory_space<hbm>> -> memref<10000x256xf32, #tpu.memory_space<hbm>>
    tpu.enqueue_indirect_dma source(%dma_start3A_4 : memref<10000x256xf32, #tpu.memory_space<hbm>>) target(%arg9 : memref<32x256xf32, #tpu.memory_space<vmem>>) offsets(%arg8 : memref<32xi32, #tpu.memory_space<vmem>>) semaphore(%arg12 : memref<!tpu.dma_semaphore, #tpu.memory_space<semaphore_mem>>)
    %dma_wait3A = arith.constant 0 : i32
    %dma_wait3A_5 = arith.constant 0 : i32
    %dma_wait3A_6 = tpu.memref_slice %arg2[%dma_wait3A, %dma_wait3A_5] : memref<10000x256xf32, #tpu.memory_space<hbm>> -> memref<10000x256xf32, #tpu.memory_space<hbm>>
    tpu.wait_indirect_dma semaphore(%arg12 : memref<!tpu.dma_semaphore, #tpu.memory_space<semaphore_mem>>) src(%dma_wait3A_6 : memref<10000x256xf32, #tpu.memory_space<hbm>>) dst(%arg9 : memref<32x256xf32, #tpu.memory_space<vmem>>)
    "tpu.region"() ({
      %run_scoped3A = tpu.sem_alloc : memref<!tpu.dma_semaphore, #tpu.memory_space<semaphore_mem>>
      %dma_start3A_13 = arith.constant 0 : i32
      %dma_start3A_14 = tpu.memref_slice %arg6[%mul3A_2, %dma_start3A_13] : memref<1024x256xf32, #tpu.memory_space<hbm>> -> memref<32x256xf32, #tpu.memory_space<hbm>>
      %dma_start3A_15 = arith.constant 0 : i32
      %dma_start3A_16 = tpu.memref_slice %arg6[%mul3A_2, %dma_start3A_15] : memref<1024x256xf32, #tpu.memory_space<hbm>> -> memref<32x256xf32, #tpu.memory_space<hbm>>
      tpu.enqueue_dma source(%arg9 : memref<32x256xf32, #tpu.memory_space<vmem>>) target(%dma_start3A_16 : memref<32x256xf32, #tpu.memory_space<hbm>>) target_semaphore(%run_scoped3A : memref<!tpu.dma_semaphore, #tpu.memory_space<semaphore_mem>>)
      %dma_wait3A_17 = arith.constant 0 : i32
      %dma_wait3A_18 = tpu.memref_slice %arg6[%mul3A_2, %dma_wait3A_17] : memref<1024x256xf32, #tpu.memory_space<hbm>> -> memref<32x256xf32, #tpu.memory_space<hbm>>
      %dma_wait3A_19 = arith.constant 0 : i32
      %dma_wait3A_20 = tpu.memref_slice %arg6[%mul3A_2, %dma_wait3A_19] : memref<1024x256xf32, #tpu.memory_space<hbm>> -> memref<32x256xf32, #tpu.memory_space<hbm>>
      tpu.wait_dma2 semaphore(%run_scoped3A : memref<!tpu.dma_semaphore, #tpu.memory_space<semaphore_mem>>) src(%arg9 : memref<32x256xf32, #tpu.memory_space<vmem>>) dst(%dma_wait3A_20 : memref<32x256xf32, #tpu.memory_space<hbm>>)
      tpu.yield
    }) : () -> ()
    "tpu.region"() ({
      %run_scoped3A = tpu.sem_alloc : memref<!tpu.dma_semaphore, #tpu.memory_space<semaphore_mem>>
      %dma_start3A_13 = tpu.memref_slice %arg5[%mul3A_2] : memref<1024xi32, #tpu.memory_space<hbm>> -> memref<32xi32, #tpu.memory_space<hbm>>
      %dma_start3A_14 = tpu.memref_slice %arg5[%mul3A_2] : memref<1024xi32, #tpu.memory_space<hbm>> -> memref<32xi32, #tpu.memory_space<hbm>>
      tpu.enqueue_dma source(%dma_start3A_14 : memref<32xi32, #tpu.memory_space<hbm>>) target(%arg10 : memref<32xi32, #tpu.memory_space<vmem>>) target_semaphore(%run_scoped3A : memref<!tpu.dma_semaphore, #tpu.memory_space<semaphore_mem>>)
      %dma_wait3A_15 = tpu.memref_slice %arg5[%mul3A_2] : memref<1024xi32, #tpu.memory_space<hbm>> -> memref<32xi32, #tpu.memory_space<hbm>>
      %dma_wait3A_16 = tpu.memref_slice %arg5[%mul3A_2] : memref<1024xi32, #tpu.memory_space<hbm>> -> memref<32xi32, #tpu.memory_space<hbm>>
      tpu.wait_dma2 semaphore(%run_scoped3A : memref<!tpu.dma_semaphore, #tpu.memory_space<semaphore_mem>>) src(%dma_wait3A_16 : memref<32xi32, #tpu.memory_space<hbm>>) dst(%arg10 : memref<32xi32, #tpu.memory_space<vmem>>)
      tpu.yield
    }) : () -> ()
    %dma_start3A_7 = arith.constant 0 : i32
    %dma_start3A_8 = arith.constant 0 : i32
    %dma_start3A_9 = tpu.memref_slice %arg3[%dma_start3A_7, %dma_start3A_8] : memref<10000x256xf32, #tpu.memory_space<hbm>> -> memref<10000x256xf32, #tpu.memory_space<hbm>>
    tpu.enqueue_indirect_dma source(%dma_start3A_9 : memref<10000x256xf32, #tpu.memory_space<hbm>>) target(%arg11 : memref<32x256xf32, #tpu.memory_space<vmem>>) offsets(%arg10 : memref<32xi32, #tpu.memory_space<vmem>>) semaphore(%arg12 : memref<!tpu.dma_semaphore, #tpu.memory_space<semaphore_mem>>)
    %dma_wait3A_10 = arith.constant 0 : i32
    %dma_wait3A_11 = arith.constant 0 : i32
    %dma_wait3A_12 = tpu.memref_slice %arg3[%dma_wait3A_10, %dma_wait3A_11] : memref<10000x256xf32, #tpu.memory_space<hbm>> -> memref<10000x256xf32, #tpu.memory_space<hbm>>
    tpu.wait_indirect_dma semaphore(%arg12 : memref<!tpu.dma_semaphore, #tpu.memory_space<semaphore_mem>>) src(%dma_wait3A_12 : memref<10000x256xf32, #tpu.memory_space<hbm>>) dst(%arg11 : memref<32x256xf32, #tpu.memory_space<vmem>>)
    "tpu.region"() ({
      %run_scoped3A = tpu.sem_alloc : memref<!tpu.dma_semaphore, #tpu.memory_space<semaphore_mem>>
      %dma_start3A_13 = arith.constant 0 : i32
      %dma_start3A_14 = tpu.memref_slice %arg7[%mul3A_2, %dma_start3A_13] : memref<1024x256xf32, #tpu.memory_space<hbm>> -> memref<32x256xf32, #tpu.memory_space<hbm>>
      %dma_start3A_15 = arith.constant 0 : i32
      %dma_start3A_16 = tpu.memref_slice %arg7[%mul3A_2, %dma_start3A_15] : memref<1024x256xf32, #tpu.memory_space<hbm>> -> memref<32x256xf32, #tpu.memory_space<hbm>>
      tpu.enqueue_dma source(%arg11 : memref<32x256xf32, #tpu.memory_space<vmem>>) target(%dma_start3A_16 : memref<32x256xf32, #tpu.memory_space<hbm>>) target_semaphore(%run_scoped3A : memref<!tpu.dma_semaphore, #tpu.memory_space<semaphore_mem>>)
      %dma_wait3A_17 = arith.constant 0 : i32
      %dma_wait3A_18 = tpu.memref_slice %arg7[%mul3A_2, %dma_wait3A_17] : memref<1024x256xf32, #tpu.memory_space<hbm>> -> memref<32x256xf32, #tpu.memory_space<hbm>>
      %dma_wait3A_19 = arith.constant 0 : i32
      %dma_wait3A_20 = tpu.memref_slice %arg7[%mul3A_2, %dma_wait3A_19] : memref<1024x256xf32, #tpu.memory_space<hbm>> -> memref<32x256xf32, #tpu.memory_space<hbm>>
      tpu.wait_dma2 semaphore(%run_scoped3A : memref<!tpu.dma_semaphore, #tpu.memory_space<semaphore_mem>>) src(%arg11 : memref<32x256xf32, #tpu.memory_space<vmem>>) dst(%dma_wait3A_20 : memref<32x256xf32, #tpu.memory_space<hbm>>)
      tpu.yield
    }) : () -> ()
    return
  }
}

module attributes {stable_mosaic.version = 14 : i64} {
  func.func @_main_body(%arg0: i32, %arg1: i32, %arg2: memref<256x256xf32, #tpu.memory_space<vmem>>, %arg3: memref<256x256xf32, #tpu.memory_space<vmem>>, %arg4: memref<2048x256xf32, #tpu.memory_space<vmem>>, %arg5: memref<1x1xf32, #tpu.memory_space<vmem>>, %arg6: memref<256x10240xf32, #tpu.memory_space<vmem>>) attributes {dimension_semantics = [#tpu.dimension_semantics<arbitrary>, #tpu.dimension_semantics<arbitrary>], iteration_bounds = array<i64: 8, 5>, scalar_prefetch = 0 : i64, scratch_operands = 1 : i64, tpu.core_type = #tpu.core_type<tc>, window_params = [{transform_indices = @transform_0, window_bounds = array<i64: 256, 256>}, {transform_indices = @transform_1, window_bounds = array<i64: 256, 256>}, {transform_indices = @transform_2, window_bounds = array<i64: 2048, 256>}, {pipeline_mode = #tpu.pipeline_mode<synchronous>, transform_indices = @transform_3, window_bounds = array<i64: 1, 1>}]} {
    %get3A = arith.constant 0 : index
    %get3A_0 = arith.constant 0 : index
    %get3A_1 = vector.load %arg4[%get3A, %get3A_0] : memref<2048x256xf32, #tpu.memory_space<vmem>>, vector<2048x256xf32>
    %scan3A = arith.constant 0 : i32
    %scan3A_2 = arith.constant 32 : i32
    %scan3A_3 = arith.addi %scan3A, %scan3A_2 : i32
    %scan3A_4 = arith.constant 1 : i32
    scf.for %scan3A_15 = %scan3A to %scan3A_3 step %scan3A_4  : i32 {
      %mul3A = arith.constant 8 : i32
      %mul3A_16 = arith.muli %scan3A_15, %mul3A : i32
      %get3A_17 = arith.index_cast %mul3A_16 : i32 to index
      %get3A_18 = arith.constant 0 : index
      %get3A_19 = vector.load %arg2[%get3A_17, %get3A_18] : memref<256x256xf32, #tpu.memory_space<vmem>>, vector<8x256xf32>
      %slice3A = vector.extract_strided_slice %get3A_19 {offsets = [0, 0], sizes = [1, 256], strides = [1, 1]} : vector<8x256xf32> to vector<1x256xf32>
      %squeeze3A = vector.shape_cast %slice3A : vector<1x256xf32> to vector<256xf32>
      %broadcast_in_dim3A = vector.shape_cast %squeeze3A : vector<256xf32> to vector<1x256xf32>
      %sub3A = vector.broadcast %broadcast_in_dim3A : vector<1x256xf32> to vector<2048x256xf32>
      %sub3A_20 = arith.subf %get3A_1, %sub3A : vector<2048x256xf32>
      %abs3A = math.absf %sub3A_20 : vector<2048x256xf32>
      %reduce_sum3A = arith.constant dense<0.000000e+00> : vector<2048xf32>
      %reduce_sum3A_21 = vector.multi_reduction <add>, %abs3A, %reduce_sum3A [1] : vector<2048x256xf32> to vector<2048xf32>
      %slice3A_22 = vector.extract_strided_slice %get3A_19 {offsets = [1, 0], sizes = [1, 256], strides = [1, 1]} : vector<8x256xf32> to vector<1x256xf32>
      %squeeze3A_23 = vector.shape_cast %slice3A_22 : vector<1x256xf32> to vector<256xf32>
      %broadcast_in_dim3A_24 = vector.shape_cast %squeeze3A_23 : vector<256xf32> to vector<1x256xf32>
      %sub3A_25 = vector.broadcast %broadcast_in_dim3A_24 : vector<1x256xf32> to vector<2048x256xf32>
      %sub3A_26 = arith.subf %get3A_1, %sub3A_25 : vector<2048x256xf32>
      %abs3A_27 = math.absf %sub3A_26 : vector<2048x256xf32>
      %reduce_sum3A_28 = arith.constant dense<0.000000e+00> : vector<2048xf32>
      %reduce_sum3A_29 = vector.multi_reduction <add>, %abs3A_27, %reduce_sum3A_28 [1] : vector<2048x256xf32> to vector<2048xf32>
      %slice3A_30 = vector.extract_strided_slice %get3A_19 {offsets = [2, 0], sizes = [1, 256], strides = [1, 1]} : vector<8x256xf32> to vector<1x256xf32>
      %squeeze3A_31 = vector.shape_cast %slice3A_30 : vector<1x256xf32> to vector<256xf32>
      %broadcast_in_dim3A_32 = vector.shape_cast %squeeze3A_31 : vector<256xf32> to vector<1x256xf32>
      %sub3A_33 = vector.broadcast %broadcast_in_dim3A_32 : vector<1x256xf32> to vector<2048x256xf32>
      %sub3A_34 = arith.subf %get3A_1, %sub3A_33 : vector<2048x256xf32>
      %abs3A_35 = math.absf %sub3A_34 : vector<2048x256xf32>
      %reduce_sum3A_36 = arith.constant dense<0.000000e+00> : vector<2048xf32>
      %reduce_sum3A_37 = vector.multi_reduction <add>, %abs3A_35, %reduce_sum3A_36 [1] : vector<2048x256xf32> to vector<2048xf32>
      %slice3A_38 = vector.extract_strided_slice %get3A_19 {offsets = [3, 0], sizes = [1, 256], strides = [1, 1]} : vector<8x256xf32> to vector<1x256xf32>
      %squeeze3A_39 = vector.shape_cast %slice3A_38 : vector<1x256xf32> to vector<256xf32>
      %broadcast_in_dim3A_40 = vector.shape_cast %squeeze3A_39 : vector<256xf32> to vector<1x256xf32>
      %sub3A_41 = vector.broadcast %broadcast_in_dim3A_40 : vector<1x256xf32> to vector<2048x256xf32>
      %sub3A_42 = arith.subf %get3A_1, %sub3A_41 : vector<2048x256xf32>
      %abs3A_43 = math.absf %sub3A_42 : vector<2048x256xf32>
      %reduce_sum3A_44 = arith.constant dense<0.000000e+00> : vector<2048xf32>
      %reduce_sum3A_45 = vector.multi_reduction <add>, %abs3A_43, %reduce_sum3A_44 [1] : vector<2048x256xf32> to vector<2048xf32>
      %slice3A_46 = vector.extract_strided_slice %get3A_19 {offsets = [4, 0], sizes = [1, 256], strides = [1, 1]} : vector<8x256xf32> to vector<1x256xf32>
      %squeeze3A_47 = vector.shape_cast %slice3A_46 : vector<1x256xf32> to vector<256xf32>
      %broadcast_in_dim3A_48 = vector.shape_cast %squeeze3A_47 : vector<256xf32> to vector<1x256xf32>
      %sub3A_49 = vector.broadcast %broadcast_in_dim3A_48 : vector<1x256xf32> to vector<2048x256xf32>
      %sub3A_50 = arith.subf %get3A_1, %sub3A_49 : vector<2048x256xf32>
      %abs3A_51 = math.absf %sub3A_50 : vector<2048x256xf32>
      %reduce_sum3A_52 = arith.constant dense<0.000000e+00> : vector<2048xf32>
      %reduce_sum3A_53 = vector.multi_reduction <add>, %abs3A_51, %reduce_sum3A_52 [1] : vector<2048x256xf32> to vector<2048xf32>
      %slice3A_54 = vector.extract_strided_slice %get3A_19 {offsets = [5, 0], sizes = [1, 256], strides = [1, 1]} : vector<8x256xf32> to vector<1x256xf32>
      %squeeze3A_55 = vector.shape_cast %slice3A_54 : vector<1x256xf32> to vector<256xf32>
      %broadcast_in_dim3A_56 = vector.shape_cast %squeeze3A_55 : vector<256xf32> to vector<1x256xf32>
      %sub3A_57 = vector.broadcast %broadcast_in_dim3A_56 : vector<1x256xf32> to vector<2048x256xf32>
      %sub3A_58 = arith.subf %get3A_1, %sub3A_57 : vector<2048x256xf32>
      %abs3A_59 = math.absf %sub3A_58 : vector<2048x256xf32>
      %reduce_sum3A_60 = arith.constant dense<0.000000e+00> : vector<2048xf32>
      %reduce_sum3A_61 = vector.multi_reduction <add>, %abs3A_59, %reduce_sum3A_60 [1] : vector<2048x256xf32> to vector<2048xf32>
      %slice3A_62 = vector.extract_strided_slice %get3A_19 {offsets = [6, 0], sizes = [1, 256], strides = [1, 1]} : vector<8x256xf32> to vector<1x256xf32>
      %squeeze3A_63 = vector.shape_cast %slice3A_62 : vector<1x256xf32> to vector<256xf32>
      %broadcast_in_dim3A_64 = vector.shape_cast %squeeze3A_63 : vector<256xf32> to vector<1x256xf32>
      %sub3A_65 = vector.broadcast %broadcast_in_dim3A_64 : vector<1x256xf32> to vector<2048x256xf32>
      %sub3A_66 = arith.subf %get3A_1, %sub3A_65 : vector<2048x256xf32>
      %abs3A_67 = math.absf %sub3A_66 : vector<2048x256xf32>
      %reduce_sum3A_68 = arith.constant dense<0.000000e+00> : vector<2048xf32>
      %reduce_sum3A_69 = vector.multi_reduction <add>, %abs3A_67, %reduce_sum3A_68 [1] : vector<2048x256xf32> to vector<2048xf32>
      %slice3A_70 = vector.extract_strided_slice %get3A_19 {offsets = [7, 0], sizes = [1, 256], strides = [1, 1]} : vector<8x256xf32> to vector<1x256xf32>
      %squeeze3A_71 = vector.shape_cast %slice3A_70 : vector<1x256xf32> to vector<256xf32>
      %broadcast_in_dim3A_72 = vector.shape_cast %squeeze3A_71 : vector<256xf32> to vector<1x256xf32>
      %sub3A_73 = vector.broadcast %broadcast_in_dim3A_72 : vector<1x256xf32> to vector<2048x256xf32>
      %sub3A_74 = arith.subf %get3A_1, %sub3A_73 : vector<2048x256xf32>
      %abs3A_75 = math.absf %sub3A_74 : vector<2048x256xf32>
      %reduce_sum3A_76 = arith.constant dense<0.000000e+00> : vector<2048xf32>
      %reduce_sum3A_77 = vector.multi_reduction <add>, %abs3A_75, %reduce_sum3A_76 [1] : vector<2048x256xf32> to vector<2048xf32>
      %stack3A = vector.shape_cast %reduce_sum3A_21 : vector<2048xf32> to vector<1x2048xf32>
      %stack3A_78 = vector.shape_cast %reduce_sum3A_29 : vector<2048xf32> to vector<1x2048xf32>
      %stack3A_79 = vector.shape_cast %reduce_sum3A_37 : vector<2048xf32> to vector<1x2048xf32>
      %stack3A_80 = vector.shape_cast %reduce_sum3A_45 : vector<2048xf32> to vector<1x2048xf32>
      %stack3A_81 = vector.shape_cast %reduce_sum3A_53 : vector<2048xf32> to vector<1x2048xf32>
      %stack3A_82 = vector.shape_cast %reduce_sum3A_61 : vector<2048xf32> to vector<1x2048xf32>
      %stack3A_83 = vector.shape_cast %reduce_sum3A_69 : vector<2048xf32> to vector<1x2048xf32>
      %stack3A_84 = vector.shape_cast %reduce_sum3A_77 : vector<2048xf32> to vector<1x2048xf32>
      %stack3A_85 = tpu.concatenate %stack3A, %stack3A_78, %stack3A_79, %stack3A_80, %stack3A_81, %stack3A_82, %stack3A_83, %stack3A_84 in 0 : vector<1x2048xf32>, vector<1x2048xf32>, vector<1x2048xf32>, vector<1x2048xf32>, vector<1x2048xf32>, vector<1x2048xf32>, vector<1x2048xf32>, vector<1x2048xf32> -> vector<8x2048xf32>
      %mul3A_86 = arith.constant 8 : i32
      %mul3A_87 = arith.muli %scan3A_15, %mul3A_86 : i32
      %mul3A_88 = arith.constant 2048 : i32
      %mul3A_89 = arith.muli %arg1, %mul3A_88 : i32
      %swap3A = arith.index_cast %mul3A_87 : i32 to index
      %swap3A_90 = arith.index_cast %mul3A_89 : i32 to index
      %swap3A_91 = vector.load %arg6[%swap3A, %swap3A_90] : memref<256x10240xf32, #tpu.memory_space<vmem>>, vector<8x2048xf32>
      tpu.vector_store %arg6[%swap3A, %swap3A_90], %stack3A_85 {strides = array<i32>} : memref<256x10240xf32, #tpu.memory_space<vmem>>, vector<8x2048xf32>,
    }
    %scan3A_5 = arith.constant 32 : i32
    %eq3A = arith.constant 0 : i32
    %eq3A_6 = arith.cmpi eq, %arg0, %eq3A : i32
    %eq3A_7 = arith.constant 0 : i32
    %eq3A_8 = arith.cmpi eq, %arg1, %eq3A_7 : i32
    %and3A = arith.andi %eq3A_6, %eq3A_8 : i1
    %convert_element_type3A = arith.extui %and3A : i1 to i32
    %cond3A = arith.constant 0 : i32
    %cond3A_9 = arith.cmpi ne, %convert_element_type3A, %cond3A : i32
    scf.if %cond3A_9 {
      %broadcast_in_dim3A = arith.constant 0.000000e+00 : f32
      %broadcast_in_dim3A_15 = vector.broadcast %broadcast_in_dim3A : f32 to vector<1x1xf32>
      %swap3A = arith.constant 0 : index
      %swap3A_16 = arith.constant 0 : index
      %swap3A_17 = vector.load %arg5[%swap3A, %swap3A_16] : memref<1x1xf32, #tpu.memory_space<vmem>>, vector<1x1xf32>
      tpu.vector_store %arg5[%swap3A, %swap3A_16], %broadcast_in_dim3A_15 {strides = array<i32>} : memref<1x1xf32, #tpu.memory_space<vmem>>, vector<1x1xf32>,
    } else {
    }
    %eq3A_10 = arith.constant 4 : i32
    %eq3A_11 = arith.cmpi eq, %arg1, %eq3A_10 : i32
    %convert_element_type3A_12 = arith.extui %eq3A_11 : i1 to i32
    %cond3A_13 = arith.constant 0 : i32
    %cond3A_14 = arith.cmpi ne, %convert_element_type3A_12, %cond3A_13 : i32
    scf.if %cond3A_14 {
      %get3A_15 = arith.constant 0 : index
      %get3A_16 = arith.constant 0 : index
      %get3A_17 = vector.load %arg6[%get3A_15, %get3A_16] : memref<256x10240xf32, #tpu.memory_space<vmem>>, vector<256x10240xf32>
      %bitcast_convert_type3A = tpu.bitcast %get3A_17 : vector<256x10240xf32> -> vector<256x10240xi32>
      %get3A_18 = arith.constant 0 : index
      %get3A_19 = arith.constant 0 : index
      %get3A_20 = vector.load %arg2[%get3A_18, %get3A_19] : memref<256x256xf32, #tpu.memory_space<vmem>>, vector<256x256xf32>
      %get3A_21 = arith.constant 0 : index
      %get3A_22 = arith.constant 0 : index
      %get3A_23 = vector.load %arg3[%get3A_21, %get3A_22] : memref<256x256xf32, #tpu.memory_space<vmem>>, vector<256x256xf32>
      %sub3A = arith.subf %get3A_20, %get3A_23 : vector<256x256xf32>
      %abs3A = math.absf %sub3A : vector<256x256xf32>
      %reduce_sum3A = arith.constant dense<0.000000e+00> : vector<256xf32>
      %reduce_sum3A_24 = vector.multi_reduction <add>, %abs3A, %reduce_sum3A [1] : vector<256x256xf32> to vector<256xf32>
      %broadcast_in_dim3A = vector.shape_cast %reduce_sum3A_24 : vector<256xf32> to vector<256x1xf32>
      %add3A = arith.constant 1.000000e+00 : f32
      %add3A_25 = vector.broadcast %add3A : f32 to vector<256x1xf32>
      %add3A_26 = arith.addf %broadcast_in_dim3A, %add3A_25 : vector<256x1xf32>
      %broadcast_in_dim3A_27 = arith.constant 0 : i32
      %broadcast_in_dim3A_28 = vector.broadcast %broadcast_in_dim3A_27 : i32 to vector<256x1xi32>
      %scan3A_29 = arith.constant 0 : i32
      %scan3A_30 = arith.constant 31 : i32
      %scan3A_31 = arith.addi %scan3A_29, %scan3A_30 : i32
      %scan3A_32 = arith.constant 1 : i32
      %scan3A_33 = scf.for %scan3A_70 = %scan3A_29 to %scan3A_31 step %scan3A_32 iter_args(%scan3A_71 = %broadcast_in_dim3A_28) -> (vector<256x1xi32>)  : i32 {
        %sub3A_72 = arith.constant 30 : i32
        %sub3A_73 = arith.subi %sub3A_72, %scan3A_70 : i32
        %shift_left3A = arith.constant 1 : i32
        %shift_left3A_74 = arith.shli %shift_left3A, %sub3A_73 : i32
        %add3A_75 = vector.broadcast %shift_left3A_74 : i32 to vector<256x1xi32>
        %add3A_76 = arith.addi %scan3A_71, %add3A_75 : vector<256x1xi32>
        %lt3A_77 = vector.broadcast %add3A_76 : vector<256x1xi32> to vector<256x10240xi32>
        %lt3A_78 = arith.cmpi slt, %bitcast_convert_type3A, %lt3A_77 : vector<256x10240xi32>
        %convert_element_type3A_79 = arith.extui %lt3A_78 : vector<256x10240xi1> to vector<256x10240xi32>
        %reduce_sum3A_80 = arith.constant dense<0> : vector<256xi32>
        %reduce_sum3A_81 = vector.multi_reduction <add>, %convert_element_type3A_79, %reduce_sum3A_80 [1] : vector<256x10240xi32> to vector<256xi32>
        %broadcast_in_dim3A_82 = vector.shape_cast %reduce_sum3A_81 : vector<256xi32> to vector<256x1xi32>
        %ge3A = arith.constant 64 : i32
        %ge3A_83 = vector.broadcast %ge3A : i32 to vector<256x1xi32>
        %ge3A_84 = arith.cmpi sge, %broadcast_in_dim3A_82, %ge3A_83 : vector<256x1xi32>
        %select_n3A_85 = arith.select %ge3A_84, %scan3A_71, %add3A_76 : vector<256x1xi1>, vector<256x1xi32>
        scf.yield %select_n3A_85 : vector<256x1xi32>
      }
      %scan3A_34 = arith.constant 31 : i32
      %bitcast_convert_type3A_35 = tpu.bitcast %scan3A_33 : vector<256x1xi32> -> vector<256x1xf32>
      %lt3A = vector.broadcast %bitcast_convert_type3A_35 : vector<256x1xf32> to vector<256x10240xf32>
      %lt3A_36 = arith.cmpf olt, %get3A_17, %lt3A : vector<256x10240xf32>
      %convert_element_type3A_37 = arith.extui %lt3A_36 : vector<256x10240xi1> to vector<256x10240xi32>
      %reduce_sum3A_38 = arith.constant dense<0> : vector<256xi32>
      %reduce_sum3A_39 = vector.multi_reduction <add>, %convert_element_type3A_37, %reduce_sum3A_38 [1] : vector<256x10240xi32> to vector<256xi32>
      %broadcast_in_dim3A_40 = vector.shape_cast %reduce_sum3A_39 : vector<256xi32> to vector<256x1xi32>
      %sub3A_41 = vector.broadcast %add3A_26 : vector<256x1xf32> to vector<256x10240xf32>
      %sub3A_42 = arith.subf %sub3A_41, %get3A_17 : vector<256x10240xf32>
      %max3A = arith.constant 0.000000e+00 : f32
      %max3A_43 = vector.broadcast %max3A : f32 to vector<256x10240xf32>
      %max3A_44 = arith.maximumf %sub3A_42, %max3A_43 : vector<256x10240xf32>
      %jit3A = arith.constant 0.000000e+00 : f32
      %broadcast_in_dim3A_45 = vector.broadcast %jit3A : f32 to vector<256x10240xf32>
      %select_n3A = arith.select %lt3A_36, %max3A_44, %broadcast_in_dim3A_45 : vector<256x10240xi1>, vector<256x10240xf32>
      %reduce_sum3A_46 = arith.constant dense<0.000000e+00> : vector<256xf32>
      %reduce_sum3A_47 = vector.multi_reduction <add>, %select_n3A, %reduce_sum3A_46 [1] : vector<256x10240xf32> to vector<256xf32>
      %broadcast_in_dim3A_48 = vector.shape_cast %reduce_sum3A_47 : vector<256xf32> to vector<256x1xf32>
      %sub3A_49 = arith.constant 64 : i32
      %sub3A_50 = vector.broadcast %sub3A_49 : i32 to vector<256x1xi32>
      %sub3A_51 = arith.subi %sub3A_50, %broadcast_in_dim3A_40 : vector<256x1xi32>
      %convert_element_type3A_52 = arith.sitofp %sub3A_51 : vector<256x1xi32> to vector<256x1xf32>
      %sub3A_53 = arith.subf %add3A_26, %bitcast_convert_type3A_35 : vector<256x1xf32>
      %max3A_54 = arith.constant 0.000000e+00 : f32
      %max3A_55 = vector.broadcast %max3A_54 : f32 to vector<256x1xf32>
      %max3A_56 = arith.maximumf %sub3A_53, %max3A_55 : vector<256x1xf32>
      %mul3A = arith.mulf %convert_element_type3A_52, %max3A_56 : vector<256x1xf32>
      %add3A_57 = arith.addf %broadcast_in_dim3A_48, %mul3A : vector<256x1xf32>
      %get3A_58 = arith.constant 0 : index
      %get3A_59 = arith.constant 0 : index
      %get3A_60 = vector.load %arg5[%get3A_58, %get3A_59] : memref<1x1xf32, #tpu.memory_space<vmem>>, vector<1x1xf32>
      %reduce_sum3A_61 = vector.shape_cast %add3A_57 : vector<256x1xf32> to vector<1x256x1xf32>
      %reduce_sum3A_62 = arith.constant dense<0.000000e+00> : vector<1xf32>
      %reduce_sum3A_63 = vector.multi_reduction <add>, %reduce_sum3A_61, %reduce_sum3A_62 [1, 2] : vector<1x256x1xf32> to vector<1xf32>
      %reduce_sum3A_64 = vector.shape_cast %reduce_sum3A_63 : vector<1xf32> to vector<1x1x1xf32>
      %reduce_sum3A_65 = vector.extract %reduce_sum3A_64[0, 0, 0] : f32 from vector<1x1x1xf32>
      %broadcast_in_dim3A_66 = vector.broadcast %reduce_sum3A_65 : f32 to vector<1x1xf32>
      %add3A_67 = arith.addf %get3A_60, %broadcast_in_dim3A_66 : vector<1x1xf32>
      %swap3A = arith.constant 0 : index
      %swap3A_68 = arith.constant 0 : index
      %swap3A_69 = vector.load %arg5[%swap3A, %swap3A_68] : memref<1x1xf32, #tpu.memory_space<vmem>>, vector<1x1xf32>
      tpu.vector_store %arg5[%swap3A, %swap3A_68], %add3A_67 {strides = array<i32>} : memref<1x1xf32, #tpu.memory_space<vmem>>, vector<1x1xf32>,
    } else {
    }
    return
  }
  func.func @transform_0(%arg0: i32, %arg1: i32) -> (i32, i32) {
    %c0_i32 = arith.constant 0 : i32
    %c0_i32_0 = arith.constant 0 : i32
    return %arg0, %c0_i32 : i32, i32
  }
  func.func @transform_1(%arg0: i32, %arg1: i32) -> (i32, i32) {
    %add3A = arith.constant 4 : i32
    %add3A_0 = arith.addi %arg0, %add3A : i32
    %jit3A = arith.constant 8 : i32
    %eq3A = arith.constant 0 : i32
    %eq3A_1 = arith.cmpi eq, %jit3A, %eq3A : i32
    %jit3A_2 = arith.constant 1 : i32
    %select_n3A = arith.select %eq3A_1, %jit3A_2, %jit3A : i32
    %rem3A = arith.remsi %add3A_0, %select_n3A : i32
    %ne3A = arith.constant 0 : i32
    %ne3A_3 = arith.cmpi ne, %rem3A, %ne3A : i32
    %lt3A = arith.constant 0 : i32
    %lt3A_4 = arith.cmpi slt, %rem3A, %lt3A : i32
    %lt3A_5 = arith.constant 0 : i32
    %lt3A_6 = arith.cmpi slt, %select_n3A, %lt3A_5 : i32
    %ne3A_7 = arith.xori %lt3A_4, %lt3A_6 : i1
    %and3A = arith.andi %ne3A_7, %ne3A_3 : i1
    %add3A_8 = arith.addi %rem3A, %select_n3A : i32
    %select_n3A_9 = arith.select %and3A, %add3A_8, %rem3A : i32
    %c0_i32 = arith.constant 0 : i32
    %c0_i32_10 = arith.constant 0 : i32
    return %select_n3A_9, %c0_i32 : i32, i32
  }
  func.func @transform_2(%arg0: i32, %arg1: i32) -> (i32, i32) {
    %jit3A = arith.constant 4 : i32
    %div3A = arith.divsi %arg0, %jit3A : i32
    %sign3A = arith.constant 0 : i32
    %sign3A_0 = arith.cmpi sgt, %arg0, %sign3A : i32
    %sign3A_1 = arith.extui %sign3A_0 : i1 to i32
    %sign3A_2 = arith.constant 0 : i32
    %sign3A_3 = arith.cmpi slt, %arg0, %sign3A_2 : i32
    %sign3A_4 = arith.extui %sign3A_3 : i1 to i32
    %sign3A_5 = arith.subi %sign3A_1, %sign3A_4 : i32
    %sign3A_6 = arith.constant 0 : i32
    %sign3A_7 = arith.cmpi sgt, %jit3A, %sign3A_6 : i32
    %sign3A_8 = arith.extui %sign3A_7 : i1 to i32
    %sign3A_9 = arith.constant 0 : i32
    %sign3A_10 = arith.cmpi slt, %jit3A, %sign3A_9 : i32
    %sign3A_11 = arith.extui %sign3A_10 : i1 to i32
    %sign3A_12 = arith.subi %sign3A_8, %sign3A_11 : i32
    %ne3A = arith.cmpi ne, %sign3A_5, %sign3A_12 : i32
    %rem3A = arith.remsi %arg0, %jit3A : i32
    %ne3A_13 = arith.constant 0 : i32
    %ne3A_14 = arith.cmpi ne, %rem3A, %ne3A_13 : i32
    %and3A = arith.andi %ne3A, %ne3A_14 : i1
    %sub3A = arith.constant 1 : i32
    %sub3A_15 = arith.subi %div3A, %sub3A : i32
    %select_n3A = arith.select %and3A, %sub3A_15, %div3A : i32
    %mul3A = arith.constant 5 : i32
    %mul3A_16 = arith.muli %select_n3A, %mul3A : i32
    %add3A = arith.addi %mul3A_16, %arg1 : i32
    %c0_i32 = arith.constant 0 : i32
    %c0_i32_17 = arith.constant 0 : i32
    return %add3A, %c0_i32 : i32, i32
  }
  func.func @transform_3(%arg0: i32, %arg1: i32) -> (i32, i32) {
    %c0_i32 = arith.constant 0 : i32
    %c0_i32_0 = arith.constant 0 : i32
    %c0_i32_1 = arith.constant 0 : i32
    return %c0_i32, %c0_i32_0 : i32, i32
  }
}

</mosaic_0001>

<sc_bundles>
// kernel: kernel.4.cloned.1.call-start
scs
__scs_entry_jumppad:
0x0: {  	(pc) =	sbr.rel $0x88, $3  }
0x1: {  	(tag) =	ssettag $0x0;
	lr =	simm.s32 $0x1  }
0x2: {  	[smem:$0x3F9D] =	sst lr;
	_ =	strace $0xD0000000  }
0x3: {  	_ = 	snop  }
0x4: {  	_ = 	snop  }
0x5: {  	_ = 	snop  }
0x6: {  	_ = 	snop  }
0x7: {  	_ = 	snop  }
__scs_overlays_trampoline_lowered:
0x8: {  	[smem:$0x3FAC] =	sst s0  }
0x9: {  	[smem:$0x3FAD] =	sst s1  }
0xa: {  	[smem:$0x3FAE] =	sst s2  }
0xb: {  	[smem:$0x3FAF] =	sst s3  }
0xc: {  	[smem:$0x3FB0] =	sst s4  }
0xd: {  	[smem:$0x3FB1] =	sst s5  }
0xe: {  	[smem:$0x3FB2] =	sst s6  }
0xf: {  	[smem:$0x3FB3] =	sst s7  }
0x10: {  	[smem:$0x3FB4] =	sst s8  }
0x11: {  	[smem:$0x3FB5] =	sst s9;
	s0 =	simm.s32 @!p0 $0x0  }
0x12: {  	s1 =	sld [smem:$0x3F9B];
	s0 =	simm.s32 @p0 $0x1  }
0x13: {  	[smem:$0x3FB6] =	sst s0;
	s0 =	simm.s32 @!p1 $0x0  }
0x14: {  	s2 =	sld [smem:$0x3F9A];
	s0 =	simm.s32 @p1 $0x1  }
0x15: {  	[smem:$0x3FB7] =	sst s0;
	s0 =	simm.s32 @!p2 $0x0  }
0x16: {  	s3 =	sld [smem:$0x3FDB];
	s0 =	simm.s32 @p2 $0x1  }
0x17: {  	s4 =	simm.s32 $0x1BF5;
	[smem:$0x3FB9] =	sst s0  }
0x18: {  	s0 =	sld [smem:$0x3F9C];
	_ =	swait.ge [sflag:s4], $0x0  }
0x19: {  	s7 =	sld [smem:$0x3F9D]  }
0x1a: {  	s8 =	sadd.s32 $0xFFFFE003, lr  }
0x1b: {  	s9 =	sadd.s32 $0xFFFFFEF7, lr;
	s5 =	simm.s32 $0xFFFFFFFF;
	p2 =	slt.u32 s8, $0xFFFFF086  }
0x1c: {  	p1 =	slt.u32 s9, $0xF7A;
	s5 =	simm.s32 @!p2 $0x0  }
0x1d: {  	s5 =	simm.s32 @p1 $0x1;
	p0 =	seq.s32 s7, s2  }
0x1e: {  	s7 =	smul.u32 @!p0 $0xF7A, s2;
	p2 =	seq.s32 @!p0 s5, $0x0  }
0x1f: {  	s9 =	smul.u32 $0xF7A, s1;
	s8 =	simm.s32 @!p0 $0x1BF5;
	p2 =	por !p2, p0  }
0x20: {  	[sflag:s8] =	ssyncset.s32 @!p0 $0xFFFFF086;
	s6 =	sadd.s32 @!p0 s3, s7;
	s7 =	simm.s32 @!p0 $0x108  }
0x21: {  	s3 =	sadd.s32 s3, s9;
	s6 =	sadd.s32 @!p0 $0x88, s6;
	s7 =	simm.s32 @p2 $0x1082  }
0x22: {  	[simem:s7], [sflag:s8] =	dma.local @!p0 [hbm:s6], $0xF7A  }
0x23: {  	s9 =	sor.u32 $0xD0000000, s2;
	s6 =	simm.s32 $0x108;
	_ =	swait.ge @!p0 [sflag:s8], $0x0  }
0x24: {  	s3 =	sadd.s32 $0x88, s3;
	s6 =	simm.s32 @!p1 $0x1082;
	[sflag:s4] =	ssyncset.s32 $0xFFFFF086  }
0x25: {  	[simem:s6], [sflag:s4] =	dma.local [hbm:s3], $0xF7A  }
0x26: {  	[smem:$0x3F9D] =	sst s1;
	(tag) =	ssettag s2;
	_ =	strace s9  }
0x27: {  	s1 =	sld [smem:$0x3FAD]  }
0x28: {  	s2 =	sld [smem:$0x3FAE]  }
0x29: {  	s4 =	sld [smem:$0x3FB0]  }
0x2a: {  	p0 =	seq.s32 s5, $0x0;
	s5 =	sld [smem:$0x3FB1]  }
0x2b: {  	s6 =	sld [smem:$0x3FB2]  }
0x2c: {  	s7 =	sld [smem:$0x3FB3]  }
0x2d: {  	s3 =	simm.s32 $0x108;
	s8 =	sld [smem:$0x3FB4]  }
0x2e: {  	s3 =	simm.s32 @!p0 $0x1082;
	s9 =	sld [smem:$0x3FB5]  }
0x2f: {  	lr =	sadd.s32 s0, s3;
	s0 =	sld [smem:$0x3FAC]  }
0x30: {  	s3 =	sld [smem:$0x3FAF]  }
0x31: {  	[smem:$0x3FB8] =	sst s10  }
0x32: {  	s10 =	sld [smem:$0x3FB6];
	_ =	sdelay $0x3  }
0x33: {  	p0 =	seq.s32 s10, $0x1;
	s10 =	sld [smem:$0x3FB8];
	_ =	sdelay $0x3  }
0x34: {  	[smem:$0x3FB8] =	sst s10  }
0x35: {  	s10 =	sld [smem:$0x3FB7];
	_ =	sdelay $0x3  }
0x36: {  	p1 =	seq.s32 s10, $0x1;
	s10 =	sld [smem:$0x3FB8];
	_ =	sdelay $0x3  }
0x37: {  	[smem:$0x3FB8] =	sst s10  }
0x38: {  	s10 =	sld [smem:$0x3FB9]  }
0x39: {  	_ = 	snop;
	(pc) =	sbr.ind lr, $3  }
0x3a: {  	_ = 	snop  }
0x3b: {  	_ = 	snop  }
0x3c: {  	p2 =	seq.s32 s10, $0x1;
	s10 =	sld [smem:$0x3FB8]  }
0x3d: {  	_ =	shalt  }
0x3e: {  	_ =	shalt  }
0x3f: {  	_ =	shalt  }
0x40: {  	_ =	shalt  }
0x41: {  	_ =	shalt  }
0x42: {  	_ =	shalt  }
0x43: {  	_ =	shalt  }
0x44: {  	_ =	shalt  }
0x45: {  	_ =	shalt  }
0x46: {  	_ =	shalt  }
0x47: {  	_ =	shalt  }
0x48: {  	_ =	shalt  }
0x49: {  	_ =	shalt  }
0x4a: {  	_ =	shalt  }
0x4b: {  	_ =	shalt  }
0x4c: {  	_ =	shalt  }
0x4d: {  	_ =	shalt  }
0x4e: {  	_ =	shalt  }
0x4f: {  	_ =	shalt  }
0x50: {  	_ =	shalt  }
0x51: {  	_ =	shalt  }
0x52: {  	_ =	shalt  }
0x53: {  	_ =	shalt  }
0x54: {  	_ =	shalt  }
0x55: {  	_ =	shalt  }
0x56: {  	_ =	shalt  }
0x57: {  	_ =	shalt  }
0x58: {  	_ =	shalt  }
0x59: {  	_ =	shalt  }
0x5a: {  	_ =	shalt  }
0x5b: {  	_ =	shalt  }
0x5c: {  	_ =	shalt  }
0x5d: {  	_ =	shalt  }
0x5e: {  	_ =	shalt  }
0x5f: {  	_ =	shalt  }
0x60: {  	_ =	shalt  }
0x61: {  	_ =	shalt  }
0x62: {  	_ =	shalt  }
0x63: {  	_ =	shalt  }
0x64: {  	_ =	shalt  }
0x65: {  	_ =	shalt  }
0x66: {  	_ =	shalt  }
0x67: {  	_ =	shalt  }
0x68: {  	_ =	shalt  }
0x69: {  	_ =	shalt  }
0x6a: {  	_ =	shalt  }
0x6b: {  	_ =	shalt  }
0x6c: {  	_ =	shalt  }
0x6d: {  	_ =	shalt  }
0x6e: {  	_ =	shalt  }
0x6f: {  	_ =	shalt  }
0x70: {  	_ =	shalt  }
0x71: {  	_ =	shalt  }
0x72: {  	_ =	shalt  }
0x73: {  	_ =	shalt  }
0x74: {  	_ =	shalt  }
0x75: {  	_ =	shalt  }
0x76: {  	_ =	shalt  }
0x77: {  	_ =	shalt  }
0x78: {  	_ =	shalt  }
0x79: {  	_ =	shalt  }
0x7a: {  	_ =	shalt  }
0x7b: {  	_ =	shalt  }
0x7c: {  	_ =	shalt  }
0x7d: {  	_ =	shalt  }
0x7e: {  	_ =	shalt  }
0x7f: {  	_ =	shalt  }
0x80: {  	_ =	shalt  }
0x81: {  	_ =	shalt  }
0x82: {  	_ =	shalt  }
0x83: {  	_ =	shalt  }
0x84: {  	_ =	shalt  }
0x85: {  	_ =	shalt  }
0x86: {  	_ =	shalt  }
0x87: {  	_ =	shalt  }
.Lfunc_end0:
.L_simem_size_0:
called_computation_lowered:
.L_overlay_start_0:
0x88: {  	s2 =	sld [smem:$0x3FD9]  }
0x89: {  	s3 =	sld [smem:$0x3FFE];
	_ =	sdelay $0x1  }
0x8a: {  	s1 =	srdreg.scid  }
0x8b: {  	s0 =	sand.u32 $0x1, s1  }
0x8c: {  	s17 =	sshll.u32 s0, $0xA;
	s2 =	sadd.s32 s3, s2  }
0x8d: {  	s2 =	sadd.s32 s2, s17  }
0x8e: {  	[smem:$0x3FC4] =	sst s2  }
0x8f: {  	_ = 	snop  }
0x90: {  	s2 =	sld [smem:$0x3FC9]  }
0x91: {  	s18 =	sld [smem:$0x3FC8]  }
0x92: {  	s4 =	sld [smem:$0x3FC7]  }
0x93: {  	s5 =	sld [smem:$0x3FC6];
	(tm) =	ssettm $0x1  }
0x94: {  	s6 =	sld [smem:$0x3FFB];
	_ =	sdelay $0x3  }
0x95: {  	_ =	strace s6  }
0x96: {  	s6 =	sld [smem:$0x3FFC];
	_ =	sdelay $0x3  }
0x97: {  	_ =	strace s6  }
0x98: {  	s6 =	sld [smem:$0x3FFD];
	_ =	sdelay $0x3  }
0x99: {  	_ =	strace s6  }
0x9a: {  	_ =	strace $0x8FFFFFFF  }
0x9b: {  	s19 =	sld [smem:$0x3FDB];
	_ =	sdelay $0x1  }
0x9c: {  	s7 =	simm.s32 $_scs_section_size  }
0x9d: {  	s8 =	simm.s32 $_size__tile_overlayer_lowered;
	s9 =	simm.s32 $_tile_overlayer_lowered  }
0x9e: {  	s22 =	simm.s32 $0x1BFF;
	s21 =	sshll.u32 s9, $0x1;
	s6 =	sadd.s32 s7, s19  }
0x9f: {  	s10 =	simm.s32 $0x0;
	s20 =	sshll.u32 s8, $0x1;
	s8 =	sadd.s32 s21, s6  }
0xa0: {  	[timem:s10], [sflag:s22] =	dma.local [hbm:s8], s20  }
0xa1: {  	_ =	swait.ge [sflag:s22], s20  }
0xa2: {  	s7 =	ssub.s32 $0x0, s20;
	[sflag:s22] =	ssyncset.done $0x0  }
0xa3: {  	[sflag:s22] =	ssyncadd.s32 s7;
	_ =	sdelay $0x1  }
0xa4: {  	s23 =	simm.s32 $0x1B8B  }
0xa5: {  	_ =	swait.ge [sflag:s23], $0x1  }
0xa6: {  	[sflag:s23] =	ssyncset.done $0x0  }
0xa7: {  	s25 =	simm.s32 $0x1B8E;
	s24 =	sld [smem:$0x3FFE];
	[sflag:s23] =	ssyncadd.s32 $0xFFFFFFFF  }
0xa8: {  	s26 =	simm.s32 $execute0_lowered;
	[smem:$0x3FD2] =	sst s25  }
0xa9: {  	s8 =	sshll.u32 s26, $0x1;
	_ =	strace $0x80000046;
	[dreg:$0x1] =	wrdreg $0xFFFFFFFF  }
0xaa: {  	s28 =	simm.s32 $_size_execute0_lowered;
	s6 =	sadd.s32 s6, s8;
	[dreg:$0x0] =	wrdreg $0x0  }
0xab: {  	s8 =	sshll.u32 s28, $0x1;
	[dreg:$0x2] =	wrdreg s6  }
0xac: {  	[dreg:$0x3] =	wrdreg s8  }
0xad: {  	[dreg:$0x4] =	wrdreg $0xC0  }
0xae: {  	_ =	task [dreg:s10], $0x5FFFF  }
0xaf: {  	[dreg:$0x1] =	wrdreg $0xFFFFFFFF  }
0xb0: {  	[dreg:$0x0] =	wrdreg $0x60  }
0xb1: {  	[dreg:$0x2] =	wrdreg s2  }
0xb2: {  	[dreg:$0x3] =	wrdreg s18  }
0xb3: {  	[dreg:$0x4] =	wrdreg s4  }
0xb4: {  	[dreg:$0x5] =	wrdreg s5  }
0xb5: {  	[dreg:$0x6] =	wrdreg s24  }
0xb6: {  	[dreg:$0x7] =	wrdreg $0x9  }
0xb7: {  	_ =	task.clear_ibuf [dreg:s10], $0x8FFFF;
	_ =	strace $0x90000046  }
0xb8: {  	s29 =	simm.s32 $0x9;
	_ =	strace $0x80000048  }
0xb9: {  	_ =	swait.ge [sflag:s29], $0x1  }
0xba: {  	[sflag:s29] =	ssyncadd.s32 $0xFFFFFFFF  }
0xbb: {  	_ =	strace $0x90000048  }
0xbc: {  	_ =	sfence  }
0xbd: {  	s30 =	sld [smem:$0x0];
	_ =	sdelay $0x2  }
0xbe: {  	s31 =	sshll.u32 s1, $0xD;
	s1 =	sshrl.u32 s1, $0x2  }
0xbf: {  	s3 =	sand.u32 $0x4000, s31;
	s1 =	sadd.s32 s1, s30  }
0xc0: {  	s0 =	sor.u32 s3, s0;
	s1 =	sshll.u32 s1, $0x11  }
0xc1: {  	s0 =	sor.u32 s1, s0  }
0xc2: {  	s0 =	sadd.s32 $0x8F2B, s0  }
0xc3: {  	[sflag:s0] =	ssyncadd.remote.s32 $0x1  }
0xc4: {  	_ =	sfence.sel $0xFFFF  }
0xc5: {  	[dreg:$0x0] =	wrdreg $0xFFFFFFFF;
	(pc) =	sbr.abs _section_cstart, $3  }
0xc6: {  	[dreg:$0x1] =	wrdreg $0xFFFFFFFF  }
0xc7: {  	_ =	task.clear_ibuf [dreg:s10], $0x2FFFF;
	_ =	strace $0x9FFFFFFF  }
0xc8: {  	(tm) =	ssettm $0x7FFFFFFF  }
0xc9: {  	_ =	shalt  }
tec
execute0_lowered:
.L_overlay_start_1:
0x0: {  	(tag) =	ssettag $0x1  }
0x1: {  	s1 =	rddreg [dreg:$0x0]  }
0x2: {  	s2 =	rddreg [dreg:$0x1]  }
0x3: {  	s5 =	rddreg [dreg:$0x2]  }
0x4: {  	s7 =	rddreg [dreg:$0x3]  }
0x5: {  	s6 =	rddreg [dreg:$0x4]  }
0x6: {  	s0 =	rddreg [dreg:$0x5];
	s8 =	srdreg.scid  }
0x7: {  	s4 =	simm.s32 $0x0;
	s3 =	stileid.u32;
	s12 =	simm.s32 $0x880  }
0x8: {  	s13 =	simm.s32 $0x1080;
	s14 =	simm.s32 $0x1880;
	s15 =	simm.s32 $0x1  }
0x9: {  	s16 =	simm.s32 $0x2080;
	s17 =	simm.s32 $0x2100;
	s18 =	simm.s32 $0x2900  }
0xa: {  	s19 =	simm.s32 $0x3100;
	s20 =	simm.s32 $0x3900;
	s8 =	sand.u32 $0x1, s8  }
0xb: {  	[smem:$0x7FF] =	sst s4;
	s9 =	sshll.u32 s3, $0x6;
	s10 =	sshll.u32 s8, $0x5  }
0xc: {  	_ =	strace $0x80000047;
	s8 =	ssub.s32 $0x2, s8;
	s9 =	sor.u32 s10, s9  }
0xd: {  	s11 =	sshrl.u32 s8, $0x1;
	s10 =	sshll.u32 s9, $0x5;
	s9 =	sshrl.u32 s9, $0x3  }
0xe: {  	v2 =	vlaneseq.u32;
	s11 =	ssub.s32 s8, s11;
	s10 =	sadd.s32 s10, s6;
	s5 =	sadd.s32 s5, s9  }
0xf: {  	vm0 =	vmmov $0xffff;
	v1 =	vshrl.u32 v2, $0x3;
	s7 =	sadd.s32 s7, s9;
	s9 =	smax.u32 s11, $0x1;
	s11 =	simm.s32 $0x80  }
0x10: {  	v0 =	vand.u32 $0x7, v2;
	v2 =	vor.u32 $0x8, v2;
	v1 =	vmul.u32 $0x8, v1;
	s6 =	sadd.s32 $0xC00, s10;
	s8 =	sadd.s32 $0x8C00, s10;
	s10 =	simm.s32 $0x2  }
.LBB2_1:
0x11: {  	[tilespmem:s4], [sflag:$0x2] =	stream.linear.gather [hbm4b:s5+s4], $0x20, $0x38;
	[tilespmem:$0x4100] =	vst v63  }
0x12: {  	_ =	swait.ge [sflag:s10], $0x20  }
0x13: {  	[sflag:s10] =	ssyncset.done $0x0  }
0x14: {  	[sflag:s10] =	ssyncadd.s32 $0xFFFFFFE0  }
0x15: {  	v3 =	vld [tilespmem:$0x0];
	_ =	sdelay $0x4  }
0x16: {  	v4 =	vshll.u32 v3, $0x1  }
0x17: {  	v3 =	vand.u32 $0x7, v3;
	v4 =	vand.u32 $0xFFFFFFF0, v4  }
0x18: {  	v3 =	vor.u32 v3, v4  }
0x19: {  	v4 =	vperm.xlane v3, v0;
	_ =	sdelay $0x1  }
0x1a: {  	v3 =	vperm.xlane v3, v2;
	v4 =	vadd.s32 v1, v4;
	_ =	sdelay $0x1  }
0x1b: {  	v3 =	vadd.s32 v1, v3;
	_ =	sdelay $0x2  }
0x1c: {  	[tilespmem:s11], [sflag:$0x1] =	stream.indirect_vreg.gather [hbm4b:s1+s4], $0x80, v4, vm0, $0xb8;
	[tilespmem:$0x4100] =	vst v63  }
0x1d: {  	_ = 	snop  }
0x1e: {  	[tilespmem:s12], [sflag:$0x1] =	stream.indirect_vreg.gather [hbm4b:s1+s4], $0x80, v3, vm0, $0xb8;
	[tilespmem:$0x4100] =	vst v63  }
0x1f: {  	v3 =	vld [tilespmem:$0x10];
	_ =	sdelay $0x4  }
0x20: {  	v61 =	vshll.u32 v3, $0x1  }
0x21: {  	v3 =	vand.u32 $0x7, v3;
	v4 =	vand.u32 $0xFFFFFFF0, v61  }
0x22: {  	v3 =	vor.u32 v3, v4  }
0x23: {  	v4 =	vperm.xlane v3, v0;
	_ =	sdelay $0x1  }
0x24: {  	v3 =	vperm.xlane v3, v2;
	v4 =	vadd.s32 v1, v4;
	_ =	sdelay $0x1  }
0x25: {  	v3 =	vadd.s32 v1, v3;
	_ =	sdelay $0x2  }
0x26: {  	[tilespmem:s13], [sflag:$0x1] =	stream.indirect_vreg.gather [hbm4b:s1+s4], $0x80, v4, vm0, $0xb8;
	[tilespmem:$0x4100] =	vst v63  }
0x27: {  	_ = 	snop  }
0x28: {  	[tilespmem:s14], [sflag:$0x1] =	stream.indirect_vreg.gather [hbm4b:s1+s4], $0x80, v3, vm0, $0xb8;
	[tilespmem:$0x4100] =	vst v63  }
0x29: {  	_ =	swait.ge [sflag:s15], $0x2000  }
0x2a: {  	[sflag:s15] =	ssyncset.done $0x0  }
0x2b: {  	[sflag:s15] =	ssyncadd.s32 $0xFFFFE000  }
0x2c: {  	[hbm4b:s6+s4] =	stream.linear.scatter [tilespmem:s11], [sflag:$0x2], $0x2000, $0x38;
	[tilespmem:$0x4100] =	vst v63  }
0x2d: {  	_ =	swait.ge [sflag:s10], $0x2000  }
0x2e: {  	[sflag:s10] =	ssyncset.done $0x0  }
0x2f: {  	[sflag:s10] =	ssyncadd.s32 $0xFFFFE000  }
0x30: {  	[tilespmem:s16], [sflag:$0x2] =	stream.linear.gather [hbm4b:s7+s4], $0x20, $0x38;
	[tilespmem:$0x4100] =	vst v63  }
0x31: {  	_ =	swait.ge [sflag:s10], $0x20  }
0x32: {  	[sflag:s10] =	ssyncset.done $0x0  }
0x33: {  	[sflag:s10] =	ssyncadd.s32 $0xFFFFFFE0  }
0x34: {  	v3 =	vld [tilespmem:$0x2080];
	_ =	sdelay $0x4  }
0x35: {  	v62 =	vshll.u32 v3, $0x1  }
0x36: {  	v3 =	vand.u32 $0x7, v3;
	v4 =	vand.u32 $0xFFFFFFF0, v62  }
0x37: {  	v3 =	vor.u32 v3, v4  }
0x38: {  	v4 =	vperm.xlane v3, v0;
	_ =	sdelay $0x1  }
0x39: {  	v3 =	vperm.xlane v3, v2;
	v4 =	vadd.s32 v1, v4;
	_ =	sdelay $0x1  }
0x3a: {  	v3 =	vadd.s32 v1, v3;
	_ =	sdelay $0x2  }
0x3b: {  	[tilespmem:s17], [sflag:$0x1] =	stream.indirect_vreg.gather [hbm4b:s2+s4], $0x80, v4, vm0, $0xb8;
	[tilespmem:$0x4100] =	vst v63  }
0x3c: {  	_ = 	snop  }
0x3d: {  	[tilespmem:s18], [sflag:$0x1] =	stream.indirect_vreg.gather [hbm4b:s2+s4], $0x80, v3, vm0, $0xb8;
	[tilespmem:$0x4100] =	vst v63  }
0x3e: {  	v3 =	vld [tilespmem:$0x2090];
	_ =	sdelay $0x4  }
0x3f: {  	v63 =	vshll.u32 v3, $0x1  }
0x40: {  	v3 =	vand.u32 $0x7, v3;
	v4 =	vand.u32 $0xFFFFFFF0, v63  }
0x41: {  	v3 =	vor.u32 v3, v4  }
0x42: {  	v4 =	vperm.xlane v3, v0;
	_ =	sdelay $0x1  }
0x43: {  	v3 =	vperm.xlane v3, v2;
	v4 =	vadd.s32 v1, v4;
	_ =	sdelay $0x1  }
0x44: {  	v3 =	vadd.s32 v1, v3;
	_ =	sdelay $0x2  }
0x45: {  	[tilespmem:s19], [sflag:$0x1] =	stream.indirect_vreg.gather [hbm4b:s2+s4], $0x80, v4, vm0, $0xb8;
	[tilespmem:$0x4100] =	vst v63  }
0x46: {  	_ = 	snop  }
0x47: {  	[tilespmem:s20], [sflag:$0x1] =	stream.indirect_vreg.gather [hbm4b:s2+s4], $0x80, v3, vm0, $0xb8;
	[tilespmem:$0x4100] =	vst v63  }
0x48: {  	_ =	swait.ge [sflag:s15], $0x2000  }
0x49: {  	p0 =	sne.s32 s9, $0x1;
	[sflag:s15] =	ssyncset.done $0x0  }
.Ltmp0:
0x4a: {  	[sflag:s15] =	ssyncadd.s32 $0xFFFFE000;
	(pc) =	sbr.rel @p0 .LBB2_1-.Ltmp0, $4  }
0x4b: {  	[hbm4b:s8+s4] =	stream.linear.scatter [tilespmem:s17], [sflag:$0x2], $0x2000, $0x38;
	[tilespmem:$0x4100] =	vst v63  }
0x4c: {  	_ =	swait.ge [sflag:s10], $0x2000  }
0x4d: {  	[sflag:s10] =	ssyncset.done $0x0  }
0x4e: {  	s9 =	sadd.s32 $0xFFFFFFFF, s9;
	[sflag:s10] =	ssyncadd.s32 $0xFFFFE000  }
0x4f: {  	_ =	sfence.sel $0x180000  }
0x50: {  	[bflag:$0x0] =	sbarrier.arrive $0xFFFF  }
0x51: {  	p0 =	sne.s32 s3, $0x0;
	_ =	strace $0x90000047  }
0x52: {  	s0 =	sadd.s32 @!p0 $0x100000, s0;
	[bflag:$0x2] =	sbarrier.arrive $0xFFFF  }
0x53: {  	[sflag:s0] =	ssyncadd.tile.s32 @!p0 $0x1;
	_ =	shalt  }
.Lfunc_end2:
_tile_overlayer_lowered:
.L_overlay_start_2:
0x54: {  	(tag) =	ssettag $0x2  }
0x55: {  	s0 =	rddreg [dreg:$0x0];
	s2 =	stileid.u32  }
0x56: {  	s1 =	rddreg [dreg:$0x1];
	p0 =	sne.s32 s2, $0x0  }
0x57: {  	s3 =	rddreg [dreg:$0x2];
	[bflag:$0x3] =	sbarrier.arrive $0xFFFF;
	s2 =	simm.s32 @!p0 $0x1C02  }
0x58: {  	[timem:s3], [sflag:s2] =	dma.local @!p0 [hbm:s0], s1  }
0x59: {  	s0 =	simm.s32 @!p0 $0x2  }
0x5a: {  	_ =	swait.ge @!p0 [sflag:s0], s1  }
0x5b: {  	s1 =	ssub.s32 @!p0 $0x0, s1;
	[sflag:s0] =	ssyncset.done @!p0 $0x0  }
0x5c: {  	[sflag:s0] =	ssyncadd.s32 @!p0 s1  }
0x5d: {  	[bflag:$0x3] =	sbarrier.arrive $0xFFFF  }
0x5e: {  	_ =	shalt  }

</sc_bundles>
